<compile_context>
chip_gen: v7x
topology: tpu7x:2x2x1
jax: 0.10.2.dev20260603
libtpu: 0.0.44.dev20260713+nightly
codegen_flags: <defaults>
</compile_context>

<pallas_src>
import jax
import jax.numpy as jnp
from jax import lax
from jax.experimental import pallas as pl
from jax.experimental.pallas import tpu as pltpu
from jax.experimental.pallas import tpu_sc as plsc
import functools

B = 128
VOCAB = 100000
L = 16
NCHUNK = B // L


@functools.partial(
    pl.kernel,
    out_type=jax.ShapeDtypeStruct((L,), jnp.float32),
    mesh=plsc.VectorSubcoreMesh(
        core_axis_name="c", subcore_axis_name="s", num_cores=1
    ),
    compiler_params=pltpu.CompilerParams(needs_layout_passes=False),
    scratch_types=[
        pltpu.VMEM((B,), jnp.int32),
        pltpu.VMEM((B,), jnp.int32),
        pltpu.VMEM((B,), jnp.float32),
        pltpu.VMEM((L,), jnp.float32),
        pltpu.SemaphoreType.DMA,
    ],
)
def _logit_loss_sc(flat_hbm, labels_hbm, out_hbm, lab_v, idx_v, val_v, res_v, sem):
    sid = lax.axis_index("s")

    @pl.when(sid == 0)
    def _():
        pltpu.sync_copy(labels_hbm, lab_v)
        lane = lax.iota(jnp.int32, L)
        for c in range(NCHUNK):
            labs = lab_v[pl.ds(c * L, L)]
            idx_v[pl.ds(c * L, L)] = (labs << 7) + c * L + lane
        pltpu.async_copy(flat_hbm.at[idx_v], val_v, sem).wait()
        acc = val_v[pl.ds(0, L)]
        for c in range(1, NCHUNK):
            acc = acc + val_v[pl.ds(c * L, L)]
        for shift in (8, 4, 2, 1):
            res_v[...] = acc
            acc = acc + plsc.load_gather(res_v, [lane ^ shift])
        res_v[...] = acc
        pltpu.sync_copy(res_v, out_hbm)


def kernel(logits, labels):
    flat = logits.T.reshape(-1)
    out = _logit_loss_sc(flat, labels.astype(jnp.int32))
    return out[0]

# --- scband reference (transcript-rebuilt; emitter-appended) ---
"""Pipeline reference for scband-logit-loss-17214228922648 (READ-ONLY COPY).

The authoritative reference and input builder live on the scoring server;
editing this copy changes nothing except your own understanding.
"""

import jax, jax.numpy as jnp
import numpy as np

B = 128
VOCAB = 100000

def setup_inputs(seed: int = 0) -> dict:
    key = jax.random.key(seed)
    logits = jax.random.normal(key, (B, VOCAB), dtype=jnp.float32)
    labels = (jnp.arange(B) * 9973) % VOCAB  # matches init_kwargs labels list
    return {"logits": logits, "labels": labels}

def reference(logits, labels):
    # real = logits.gather(1, labels.unsqueeze(1)).squeeze(1)
    real = jnp.take_along_axis(logits, labels[:, None], axis=1)[:, 0]
    logit_dists = 1 * real
    loss = jnp.sum(logit_dists)
    # targeted == True -> no negation
    return loss

if __name__ == "__main__":
    import jax
    _d = setup_inputs()
    print(jax.jit(kernel)(*tuple(_d.values())))

</pallas_src>

<mosaic_0001>
#map = affine_map<(d0, d1) -> (0)>
module attributes {stable_mosaic.version = 14 : i64} {
  func.func @_logit_loss_sc(%arg0: i32, %arg1: i32, %arg2: memref<12800000xf32, #tpu.memory_space<hbm>>, %arg3: memref<128xi32, #tpu.memory_space<hbm>>, %arg4: memref<16xf32, #tpu.memory_space<hbm>>, %arg5: memref<128xi32, #tpu.memory_space<vmem>>, %arg6: memref<128xi32, #tpu.memory_space<vmem>>, %arg7: memref<128xf32, #tpu.memory_space<vmem>>, %arg8: memref<16xf32, #tpu.memory_space<vmem>>, %arg9: memref<!tpu.dma_semaphore, #tpu.memory_space<semaphore_mem>>) attributes {dimension_semantics = [#tpu.dimension_semantics<core_parallel>, #tpu.dimension_semantics<subcore_parallel>], iteration_bounds = array<i64: 1, 16>, scalar_prefetch = 0 : i64, scratch_operands = 5 : i64, tpu.core_type = #tpu.core_type<sc_vector_subcore>, window_params = [{transform_indices = #map}, {transform_indices = #map}, {transform_indices = #map}]} {
    %eq3A = arith.constant 0 : i32
    %eq3A_0 = arith.cmpi eq, %arg1, %eq3A : i32
    %convert_element_type3A = arith.extui %eq3A_0 : i1 to i32
    %cond3A = arith.constant 0 : i32
    %cond3A_1 = arith.cmpi ne, %convert_element_type3A, %cond3A : i32
    scf.if %cond3A_1 {
      "tpu.region"() ({
        %run_scoped3A = tpu.sem_alloc : memref<!tpu.dma_semaphore, #tpu.memory_space<semaphore_mem>>
        tpu.enqueue_dma source(%arg3 : memref<128xi32, #tpu.memory_space<hbm>>) target(%arg5 : memref<128xi32, #tpu.memory_space<vmem>>) target_semaphore(%run_scoped3A : memref<!tpu.dma_semaphore, #tpu.memory_space<semaphore_mem>>)
        tpu.wait_dma2 semaphore(%run_scoped3A : memref<!tpu.dma_semaphore, #tpu.memory_space<semaphore_mem>>) src(%arg3 : memref<128xi32, #tpu.memory_space<hbm>>) dst(%arg5 : memref<128xi32, #tpu.memory_space<vmem>>)
        tpu.yield
      }) : () -> ()
      %iota3A = tpu.iota {dimensions = array<i32: 0>} : vector<16xi32>
      %get3A = arith.constant 0 : index
      %get3A_2 = tpu.vector_load %arg5[%get3A] {strides = array<i32>} : memref<128xi32, #tpu.memory_space<vmem>>, vector<16xi32>,
      %shift_left3A = arith.constant 7 : i32
      %shift_left3A_3 = vector.broadcast %shift_left3A : i32 to vector<16xi32>
      %shift_left3A_4 = arith.shli %get3A_2, %shift_left3A_3 : vector<16xi32>
      %add3A = arith.constant 0 : i32
      %add3A_5 = vector.broadcast %add3A : i32 to vector<16xi32>
      %add3A_6 = arith.addi %shift_left3A_4, %add3A_5 : vector<16xi32>
      %add3A_7 = arith.addi %add3A_6, %iota3A : vector<16xi32>
      %swap3A = arith.constant 0 : index
      %swap3A_8 = tpu.vector_load %arg6[%swap3A] {strides = array<i32>} : memref<128xi32, #tpu.memory_space<vmem>>, vector<16xi32>,
      tpu.vector_store %arg6[%swap3A], %add3A_7 {strides = array<i32>} : memref<128xi32, #tpu.memory_space<vmem>>, vector<16xi32>,
      %get3A_9 = arith.constant 16 : index
      %get3A_10 = tpu.vector_load %arg5[%get3A_9] {strides = array<i32>} : memref<128xi32, #tpu.memory_space<vmem>>, vector<16xi32>,
      %shift_left3A_11 = arith.constant 7 : i32
      %shift_left3A_12 = vector.broadcast %shift_left3A_11 : i32 to vector<16xi32>
      %shift_left3A_13 = arith.shli %get3A_10, %shift_left3A_12 : vector<16xi32>
      %add3A_14 = arith.constant 16 : i32
      %add3A_15 = vector.broadcast %add3A_14 : i32 to vector<16xi32>
      %add3A_16 = arith.addi %shift_left3A_13, %add3A_15 : vector<16xi32>
      %add3A_17 = arith.addi %add3A_16, %iota3A : vector<16xi32>
      %swap3A_18 = arith.constant 16 : index
      %swap3A_19 = tpu.vector_load %arg6[%swap3A_18] {strides = array<i32>} : memref<128xi32, #tpu.memory_space<vmem>>, vector<16xi32>,
      tpu.vector_store %arg6[%swap3A_18], %add3A_17 {strides = array<i32>} : memref<128xi32, #tpu.memory_space<vmem>>, vector<16xi32>,
      %get3A_20 = arith.constant 32 : index
      %get3A_21 = tpu.vector_load %arg5[%get3A_20] {strides = array<i32>} : memref<128xi32, #tpu.memory_space<vmem>>, vector<16xi32>,
      %shift_left3A_22 = arith.constant 7 : i32
      %shift_left3A_23 = vector.broadcast %shift_left3A_22 : i32 to vector<16xi32>
      %shift_left3A_24 = arith.shli %get3A_21, %shift_left3A_23 : vector<16xi32>
      %add3A_25 = arith.constant 32 : i32
      %add3A_26 = vector.broadcast %add3A_25 : i32 to vector<16xi32>
      %add3A_27 = arith.addi %shift_left3A_24, %add3A_26 : vector<16xi32>
      %add3A_28 = arith.addi %add3A_27, %iota3A : vector<16xi32>
      %swap3A_29 = arith.constant 32 : index
      %swap3A_30 = tpu.vector_load %arg6[%swap3A_29] {strides = array<i32>} : memref<128xi32, #tpu.memory_space<vmem>>, vector<16xi32>,
      tpu.vector_store %arg6[%swap3A_29], %add3A_28 {strides = array<i32>} : memref<128xi32, #tpu.memory_space<vmem>>, vector<16xi32>,
      %get3A_31 = arith.constant 48 : index
      %get3A_32 = tpu.vector_load %arg5[%get3A_31] {strides = array<i32>} : memref<128xi32, #tpu.memory_space<vmem>>, vector<16xi32>,
      %shift_left3A_33 = arith.constant 7 : i32
      %shift_left3A_34 = vector.broadcast %shift_left3A_33 : i32 to vector<16xi32>
      %shift_left3A_35 = arith.shli %get3A_32, %shift_left3A_34 : vector<16xi32>
      %add3A_36 = arith.constant 48 : i32
      %add3A_37 = vector.broadcast %add3A_36 : i32 to vector<16xi32>
      %add3A_38 = arith.addi %shift_left3A_35, %add3A_37 : vector<16xi32>
      %add3A_39 = arith.addi %add3A_38, %iota3A : vector<16xi32>
      %swap3A_40 = arith.constant 48 : index
      %swap3A_41 = tpu.vector_load %arg6[%swap3A_40] {strides = array<i32>} : memref<128xi32, #tpu.memory_space<vmem>>, vector<16xi32>,
      tpu.vector_store %arg6[%swap3A_40], %add3A_39 {strides = array<i32>} : memref<128xi32, #tpu.memory_space<vmem>>, vector<16xi32>,
      %get3A_42 = arith.constant 64 : index
      %get3A_43 = tpu.vector_load %arg5[%get3A_42] {strides = array<i32>} : memref<128xi32, #tpu.memory_space<vmem>>, vector<16xi32>,
      %shift_left3A_44 = arith.constant 7 : i32
      %shift_left3A_45 = vector.broadcast %shift_left3A_44 : i32 to vector<16xi32>
      %shift_left3A_46 = arith.shli %get3A_43, %shift_left3A_45 : vector<16xi32>
      %add3A_47 = arith.constant 64 : i32
      %add3A_48 = vector.broadcast %add3A_47 : i32 to vector<16xi32>
      %add3A_49 = arith.addi %shift_left3A_46, %add3A_48 : vector<16xi32>
      %add3A_50 = arith.addi %add3A_49, %iota3A : vector<16xi32>
      %swap3A_51 = arith.constant 64 : index
      %swap3A_52 = tpu.vector_load %arg6[%swap3A_51] {strides = array<i32>} : memref<128xi32, #tpu.memory_space<vmem>>, vector<16xi32>,
      tpu.vector_store %arg6[%swap3A_51], %add3A_50 {strides = array<i32>} : memref<128xi32, #tpu.memory_space<vmem>>, vector<16xi32>,
      %get3A_53 = arith.constant 80 : index
      %get3A_54 = tpu.vector_load %arg5[%get3A_53] {strides = array<i32>} : memref<128xi32, #tpu.memory_space<vmem>>, vector<16xi32>,
      %shift_left3A_55 = arith.constant 7 : i32
      %shift_left3A_56 = vector.broadcast %shift_left3A_55 : i32 to vector<16xi32>
      %shift_left3A_57 = arith.shli %get3A_54, %shift_left3A_56 : vector<16xi32>
      %add3A_58 = arith.constant 80 : i32
      %add3A_59 = vector.broadcast %add3A_58 : i32 to vector<16xi32>
      %add3A_60 = arith.addi %shift_left3A_57, %add3A_59 : vector<16xi32>
      %add3A_61 = arith.addi %add3A_60, %iota3A : vector<16xi32>
      %swap3A_62 = arith.constant 80 : index
      %swap3A_63 = tpu.vector_load %arg6[%swap3A_62] {strides = array<i32>} : memref<128xi32, #tpu.memory_space<vmem>>, vector<16xi32>,
      tpu.vector_store %arg6[%swap3A_62], %add3A_61 {strides = array<i32>} : memref<128xi32, #tpu.memory_space<vmem>>, vector<16xi32>,
      %get3A_64 = arith.constant 96 : index
      %get3A_65 = tpu.vector_load %arg5[%get3A_64] {strides = array<i32>} : memref<128xi32, #tpu.memory_space<vmem>>, vector<16xi32>,
      %shift_left3A_66 = arith.constant 7 : i32
      %shift_left3A_67 = vector.broadcast %shift_left3A_66 : i32 to vector<16xi32>
      %shift_left3A_68 = arith.shli %get3A_65, %shift_left3A_67 : vector<16xi32>
      %add3A_69 = arith.constant 96 : i32
      %add3A_70 = vector.broadcast %add3A_69 : i32 to vector<16xi32>
      %add3A_71 = arith.addi %shift_left3A_68, %add3A_70 : vector<16xi32>
      %add3A_72 = arith.addi %add3A_71, %iota3A : vector<16xi32>
      %swap3A_73 = arith.constant 96 : index
      %swap3A_74 = tpu.vector_load %arg6[%swap3A_73] {strides = array<i32>} : memref<128xi32, #tpu.memory_space<vmem>>, vector<16xi32>,
      tpu.vector_store %arg6[%swap3A_73], %add3A_72 {strides = array<i32>} : memref<128xi32, #tpu.memory_space<vmem>>, vector<16xi32>,
      %get3A_75 = arith.constant 112 : index
      %get3A_76 = tpu.vector_load %arg5[%get3A_75] {strides = array<i32>} : memref<128xi32, #tpu.memory_space<vmem>>, vector<16xi32>,
      %shift_left3A_77 = arith.constant 7 : i32
      %shift_left3A_78 = vector.broadcast %shift_left3A_77 : i32 to vector<16xi32>
      %shift_left3A_79 = arith.shli %get3A_76, %shift_left3A_78 : vector<16xi32>
      %add3A_80 = arith.constant 112 : i32
      %add3A_81 = vector.broadcast %add3A_80 : i32 to vector<16xi32>
      %add3A_82 = arith.addi %shift_left3A_79, %add3A_81 : vector<16xi32>
      %add3A_83 = arith.addi %add3A_82, %iota3A : vector<16xi32>
      %swap3A_84 = arith.constant 112 : index
      %swap3A_85 = tpu.vector_load %arg6[%swap3A_84] {strides = array<i32>} : memref<128xi32, #tpu.memory_space<vmem>>, vector<16xi32>,
      tpu.vector_store %arg6[%swap3A_84], %add3A_83 {strides = array<i32>} : memref<128xi32, #tpu.memory_space<vmem>>, vector<16xi32>,
      %dma_start3A = arith.constant 0 : i32
      %dma_start3A_86 = tpu.memref_slice %arg2[%dma_start3A] : memref<12800000xf32, #tpu.memory_space<hbm>> -> memref<12800000xf32, #tpu.memory_space<hbm>>
      tpu.enqueue_indirect_dma source(%dma_start3A_86 : memref<12800000xf32, #tpu.memory_space<hbm>>) target(%arg7 : memref<128xf32, #tpu.memory_space<vmem>>) offsets(%arg6 : memref<128xi32, #tpu.memory_space<vmem>>) semaphore(%arg9 : memref<!tpu.dma_semaphore, #tpu.memory_space<semaphore_mem>>)
      %dma_wait3A = arith.constant 0 : i32
      %dma_wait3A_87 = tpu.memref_slice %arg2[%dma_wait3A] : memref<12800000xf32, #tpu.memory_space<hbm>> -> memref<12800000xf32, #tpu.memory_space<hbm>>
      tpu.wait_indirect_dma semaphore(%arg9 : memref<!tpu.dma_semaphore, #tpu.memory_space<semaphore_mem>>) src(%dma_wait3A_87 : memref<12800000xf32, #tpu.memory_space<hbm>>) dst(%arg7 : memref<128xf32, #tpu.memory_space<vmem>>)
      %get3A_88 = arith.constant 0 : index
      %get3A_89 = tpu.vector_load %arg7[%get3A_88] {strides = array<i32>} : memref<128xf32, #tpu.memory_space<vmem>>, vector<16xf32>,
      %get3A_90 = arith.constant 16 : index
      %get3A_91 = tpu.vector_load %arg7[%get3A_90] {strides = array<i32>} : memref<128xf32, #tpu.memory_space<vmem>>, vector<16xf32>,
      %add3A_92 = arith.addf %get3A_89, %get3A_91 : vector<16xf32>
      %get3A_93 = arith.constant 32 : index
      %get3A_94 = tpu.vector_load %arg7[%get3A_93] {strides = array<i32>} : memref<128xf32, #tpu.memory_space<vmem>>, vector<16xf32>,
      %add3A_95 = arith.addf %add3A_92, %get3A_94 : vector<16xf32>
      %get3A_96 = arith.constant 48 : index
      %get3A_97 = tpu.vector_load %arg7[%get3A_96] {strides = array<i32>} : memref<128xf32, #tpu.memory_space<vmem>>, vector<16xf32>,
      %add3A_98 = arith.addf %add3A_95, %get3A_97 : vector<16xf32>
      %get3A_99 = arith.constant 64 : index
      %get3A_100 = tpu.vector_load %arg7[%get3A_99] {strides = array<i32>} : memref<128xf32, #tpu.memory_space<vmem>>, vector<16xf32>,
      %add3A_101 = arith.addf %add3A_98, %get3A_100 : vector<16xf32>
      %get3A_102 = arith.constant 80 : index
      %get3A_103 = tpu.vector_load %arg7[%get3A_102] {strides = array<i32>} : memref<128xf32, #tpu.memory_space<vmem>>, vector<16xf32>,
      %add3A_104 = arith.addf %add3A_101, %get3A_103 : vector<16xf32>
      %get3A_105 = arith.constant 96 : index
      %get3A_106 = tpu.vector_load %arg7[%get3A_105] {strides = array<i32>} : memref<128xf32, #tpu.memory_space<vmem>>, vector<16xf32>,
      %add3A_107 = arith.addf %add3A_104, %get3A_106 : vector<16xf32>
      %get3A_108 = arith.constant 112 : index
      %get3A_109 = tpu.vector_load %arg7[%get3A_108] {strides = array<i32>} : memref<128xf32, #tpu.memory_space<vmem>>, vector<16xf32>,
      %add3A_110 = arith.addf %add3A_107, %get3A_109 : vector<16xf32>
      %swap3A_111 = arith.constant 0 : index
      %swap3A_112 = tpu.vector_load %arg8[%swap3A_111] {strides = array<i32>} : memref<16xf32, #tpu.memory_space<vmem>>, vector<16xf32>,
      tpu.vector_store %arg8[%swap3A_111], %add3A_110 {strides = array<i32>} : memref<16xf32, #tpu.memory_space<vmem>>, vector<16xf32>,
      %xor3A = arith.constant 8 : i32
      %xor3A_113 = vector.broadcast %xor3A : i32 to vector<16xi32>
      %xor3A_114 = arith.xori %iota3A, %xor3A_113 : vector<16xi32>
      %gather3A = tpu.vector_load_idx %arg8[%xor3A_114] : memref<16xf32, #tpu.memory_space<vmem>>[vector<16xi32>], vector<16xf32>,
      %add3A_115 = arith.addf %add3A_110, %gather3A : vector<16xf32>
      %swap3A_116 = arith.constant 0 : index
      %swap3A_117 = tpu.vector_load %arg8[%swap3A_116] {strides = array<i32>} : memref<16xf32, #tpu.memory_space<vmem>>, vector<16xf32>,
      tpu.vector_store %arg8[%swap3A_116], %add3A_115 {strides = array<i32>} : memref<16xf32, #tpu.memory_space<vmem>>, vector<16xf32>,
      %xor3A_118 = arith.constant 4 : i32
      %xor3A_119 = vector.broadcast %xor3A_118 : i32 to vector<16xi32>
      %xor3A_120 = arith.xori %iota3A, %xor3A_119 : vector<16xi32>
      %gather3A_121 = tpu.vector_load_idx %arg8[%xor3A_120] : memref<16xf32, #tpu.memory_space<vmem>>[vector<16xi32>], vector<16xf32>,
      %add3A_122 = arith.addf %add3A_115, %gather3A_121 : vector<16xf32>
      %swap3A_123 = arith.constant 0 : index
      %swap3A_124 = tpu.vector_load %arg8[%swap3A_123] {strides = array<i32>} : memref<16xf32, #tpu.memory_space<vmem>>, vector<16xf32>,
      tpu.vector_store %arg8[%swap3A_123], %add3A_122 {strides = array<i32>} : memref<16xf32, #tpu.memory_space<vmem>>, vector<16xf32>,
      %xor3A_125 = arith.constant 2 : i32
      %xor3A_126 = vector.broadcast %xor3A_125 : i32 to vector<16xi32>
      %xor3A_127 = arith.xori %iota3A, %xor3A_126 : vector<16xi32>
      %gather3A_128 = tpu.vector_load_idx %arg8[%xor3A_127] : memref<16xf32, #tpu.memory_space<vmem>>[vector<16xi32>], vector<16xf32>,
      %add3A_129 = arith.addf %add3A_122, %gather3A_128 : vector<16xf32>
      %swap3A_130 = arith.constant 0 : index
      %swap3A_131 = tpu.vector_load %arg8[%swap3A_130] {strides = array<i32>} : memref<16xf32, #tpu.memory_space<vmem>>, vector<16xf32>,
      tpu.vector_store %arg8[%swap3A_130], %add3A_129 {strides = array<i32>} : memref<16xf32, #tpu.memory_space<vmem>>, vector<16xf32>,
      %xor3A_132 = arith.constant 1 : i32
      %xor3A_133 = vector.broadcast %xor3A_132 : i32 to vector<16xi32>
      %xor3A_134 = arith.xori %iota3A, %xor3A_133 : vector<16xi32>
      %gather3A_135 = tpu.vector_load_idx %arg8[%xor3A_134] : memref<16xf32, #tpu.memory_space<vmem>>[vector<16xi32>], vector<16xf32>,
      %add3A_136 = arith.addf %add3A_129, %gather3A_135 : vector<16xf32>
      %swap3A_137 = arith.constant 0 : index
      %swap3A_138 = tpu.vector_load %arg8[%swap3A_137] {strides = array<i32>} : memref<16xf32, #tpu.memory_space<vmem>>, vector<16xf32>,
      tpu.vector_store %arg8[%swap3A_137], %add3A_136 {strides = array<i32>} : memref<16xf32, #tpu.memory_space<vmem>>, vector<16xf32>,
      "tpu.region"() ({
        %run_scoped3A = tpu.sem_alloc : memref<!tpu.dma_semaphore, #tpu.memory_space<semaphore_mem>>
        tpu.enqueue_dma source(%arg8 : memref<16xf32, #tpu.memory_space<vmem>>) target(%arg4 : memref<16xf32, #tpu.memory_space<hbm>>) target_semaphore(%run_scoped3A : memref<!tpu.dma_semaphore, #tpu.memory_space<semaphore_mem>>)
        tpu.wait_dma2 semaphore(%run_scoped3A : memref<!tpu.dma_semaphore, #tpu.memory_space<semaphore_mem>>) src(%arg8 : memref<16xf32, #tpu.memory_space<vmem>>) dst(%arg4 : memref<16xf32, #tpu.memory_space<hbm>>)
        tpu.yield
      }) : () -> ()
    } else {
    }
    return
  }
}

</mosaic_0001>

<sc_bundles>
// kernel: kernel.3.cloned.1.call-start
scs
__scs_entry_jumppad:
0x0: {  	(pc) =	sbr.rel $0x88, $3  }
0x1: {  	(tag) =	ssettag $0x0;
	lr =	simm.s32 $0x1  }
0x2: {  	[smem:$0x3F9F] =	sst lr;
	_ =	strace $0xD0000000  }
0x3: {  	_ = 	snop  }
0x4: {  	_ = 	snop  }
0x5: {  	_ = 	snop  }
0x6: {  	_ = 	snop  }
0x7: {  	_ = 	snop  }
__scs_overlays_trampoline_lowered:
0x8: {  	[smem:$0x3FAE] =	sst s0  }
0x9: {  	[smem:$0x3FAF] =	sst s1  }
0xa: {  	[smem:$0x3FB0] =	sst s2  }
0xb: {  	[smem:$0x3FB1] =	sst s3  }
0xc: {  	[smem:$0x3FB2] =	sst s4  }
0xd: {  	[smem:$0x3FB3] =	sst s5  }
0xe: {  	[smem:$0x3FB4] =	sst s6  }
0xf: {  	[smem:$0x3FB5] =	sst s7  }
0x10: {  	[smem:$0x3FB6] =	sst s8  }
0x11: {  	[smem:$0x3FB7] =	sst s9;
	s0 =	simm.s32 @!p0 $0x0  }
0x12: {  	s1 =	sld [smem:$0x3F9D];
	s0 =	simm.s32 @p0 $0x1  }
0x13: {  	[smem:$0x3FB8] =	sst s0;
	s0 =	simm.s32 @!p1 $0x0  }
0x14: {  	s2 =	sld [smem:$0x3F9C];
	s0 =	simm.s32 @p1 $0x1  }
0x15: {  	[smem:$0x3FB9] =	sst s0;
	s0 =	simm.s32 @!p2 $0x0  }
0x16: {  	s3 =	sld [smem:$0x3FDB];
	s0 =	simm.s32 @p2 $0x1  }
0x17: {  	s4 =	simm.s32 $0x1BF5;
	[smem:$0x3FBB] =	sst s0  }
0x18: {  	s0 =	sld [smem:$0x3F9E];
	_ =	swait.ge [sflag:s4], $0x0  }
0x19: {  	s7 =	sld [smem:$0x3F9F]  }
0x1a: {  	s8 =	sadd.s32 $0xFFFFE003, lr  }
0x1b: {  	s9 =	sadd.s32 $0xFFFFFEF7, lr;
	s5 =	simm.s32 $0xFFFFFFFF;
	p2 =	slt.u32 s8, $0xFFFFF086  }
0x1c: {  	p1 =	slt.u32 s9, $0xF7A;
	s5 =	simm.s32 @!p2 $0x0  }
0x1d: {  	s5 =	simm.s32 @p1 $0x1;
	p0 =	seq.s32 s7, s2  }
0x1e: {  	s7 =	smul.u32 @!p0 $0xF7A, s2;
	p2 =	seq.s32 @!p0 s5, $0x0  }
0x1f: {  	s9 =	smul.u32 $0xF7A, s1;
	s8 =	simm.s32 @!p0 $0x1BF5;
	p2 =	por !p2, p0  }
0x20: {  	[sflag:s8] =	ssyncset.s32 @!p0 $0xFFFFF086;
	s6 =	sadd.s32 @!p0 s3, s7;
	s7 =	simm.s32 @!p0 $0x108  }
0x21: {  	s3 =	sadd.s32 s3, s9;
	s6 =	sadd.s32 @!p0 $0x88, s6;
	s7 =	simm.s32 @p2 $0x1082  }
0x22: {  	[simem:s7], [sflag:s8] =	dma.local @!p0 [hbm:s6], $0xF7A  }
0x23: {  	s9 =	sor.u32 $0xD0000000, s2;
	s6 =	simm.s32 $0x108;
	_ =	swait.ge @!p0 [sflag:s8], $0x0  }
0x24: {  	s3 =	sadd.s32 $0x88, s3;
	s6 =	simm.s32 @!p1 $0x1082;
	[sflag:s4] =	ssyncset.s32 $0xFFFFF086  }
0x25: {  	[simem:s6], [sflag:s4] =	dma.local [hbm:s3], $0xF7A  }
0x26: {  	[smem:$0x3F9F] =	sst s1;
	(tag) =	ssettag s2;
	_ =	strace s9  }
0x27: {  	s1 =	sld [smem:$0x3FAF]  }
0x28: {  	s2 =	sld [smem:$0x3FB0]  }
0x29: {  	s4 =	sld [smem:$0x3FB2]  }
0x2a: {  	p0 =	seq.s32 s5, $0x0;
	s5 =	sld [smem:$0x3FB3]  }
0x2b: {  	s6 =	sld [smem:$0x3FB4]  }
0x2c: {  	s7 =	sld [smem:$0x3FB5]  }
0x2d: {  	s3 =	simm.s32 $0x108;
	s8 =	sld [smem:$0x3FB6]  }
0x2e: {  	s3 =	simm.s32 @!p0 $0x1082;
	s9 =	sld [smem:$0x3FB7]  }
0x2f: {  	lr =	sadd.s32 s0, s3;
	s0 =	sld [smem:$0x3FAE]  }
0x30: {  	s3 =	sld [smem:$0x3FB1]  }
0x31: {  	[smem:$0x3FBA] =	sst s10  }
0x32: {  	s10 =	sld [smem:$0x3FB8];
	_ =	sdelay $0x3  }
0x33: {  	p0 =	seq.s32 s10, $0x1;
	s10 =	sld [smem:$0x3FBA];
	_ =	sdelay $0x3  }
0x34: {  	[smem:$0x3FBA] =	sst s10  }
0x35: {  	s10 =	sld [smem:$0x3FB9];
	_ =	sdelay $0x3  }
0x36: {  	p1 =	seq.s32 s10, $0x1;
	s10 =	sld [smem:$0x3FBA];
	_ =	sdelay $0x3  }
0x37: {  	[smem:$0x3FBA] =	sst s10  }
0x38: {  	s10 =	sld [smem:$0x3FBB]  }
0x39: {  	_ = 	snop;
	(pc) =	sbr.ind lr, $3  }
0x3a: {  	_ = 	snop  }
0x3b: {  	_ = 	snop  }
0x3c: {  	p2 =	seq.s32 s10, $0x1;
	s10 =	sld [smem:$0x3FBA]  }
0x3d: {  	_ =	shalt  }
0x3e: {  	_ =	shalt  }
0x3f: {  	_ =	shalt  }
0x40: {  	_ =	shalt  }
0x41: {  	_ =	shalt  }
0x42: {  	_ =	shalt  }
0x43: {  	_ =	shalt  }
0x44: {  	_ =	shalt  }
0x45: {  	_ =	shalt  }
0x46: {  	_ =	shalt  }
0x47: {  	_ =	shalt  }
0x48: {  	_ =	shalt  }
0x49: {  	_ =	shalt  }
0x4a: {  	_ =	shalt  }
0x4b: {  	_ =	shalt  }
0x4c: {  	_ =	shalt  }
0x4d: {  	_ =	shalt  }
0x4e: {  	_ =	shalt  }
0x4f: {  	_ =	shalt  }
0x50: {  	_ =	shalt  }
0x51: {  	_ =	shalt  }
0x52: {  	_ =	shalt  }
0x53: {  	_ =	shalt  }
0x54: {  	_ =	shalt  }
0x55: {  	_ =	shalt  }
0x56: {  	_ =	shalt  }
0x57: {  	_ =	shalt  }
0x58: {  	_ =	shalt  }
0x59: {  	_ =	shalt  }
0x5a: {  	_ =	shalt  }
0x5b: {  	_ =	shalt  }
0x5c: {  	_ =	shalt  }
0x5d: {  	_ =	shalt  }
0x5e: {  	_ =	shalt  }
0x5f: {  	_ =	shalt  }
0x60: {  	_ =	shalt  }
0x61: {  	_ =	shalt  }
0x62: {  	_ =	shalt  }
0x63: {  	_ =	shalt  }
0x64: {  	_ =	shalt  }
0x65: {  	_ =	shalt  }
0x66: {  	_ =	shalt  }
0x67: {  	_ =	shalt  }
0x68: {  	_ =	shalt  }
0x69: {  	_ =	shalt  }
0x6a: {  	_ =	shalt  }
0x6b: {  	_ =	shalt  }
0x6c: {  	_ =	shalt  }
0x6d: {  	_ =	shalt  }
0x6e: {  	_ =	shalt  }
0x6f: {  	_ =	shalt  }
0x70: {  	_ =	shalt  }
0x71: {  	_ =	shalt  }
0x72: {  	_ =	shalt  }
0x73: {  	_ =	shalt  }
0x74: {  	_ =	shalt  }
0x75: {  	_ =	shalt  }
0x76: {  	_ =	shalt  }
0x77: {  	_ =	shalt  }
0x78: {  	_ =	shalt  }
0x79: {  	_ =	shalt  }
0x7a: {  	_ =	shalt  }
0x7b: {  	_ =	shalt  }
0x7c: {  	_ =	shalt  }
0x7d: {  	_ =	shalt  }
0x7e: {  	_ =	shalt  }
0x7f: {  	_ =	shalt  }
0x80: {  	_ =	shalt  }
0x81: {  	_ =	shalt  }
0x82: {  	_ =	shalt  }
0x83: {  	_ =	shalt  }
0x84: {  	_ =	shalt  }
0x85: {  	_ =	shalt  }
0x86: {  	_ =	shalt  }
0x87: {  	_ =	shalt  }
.Lfunc_end0:
.L_simem_size_0:
called_computation_lowered:
.L_overlay_start_0:
0x88: {  	s0 =	sld [smem:$0x3FD9]  }
0x89: {  	s1 =	sld [smem:$0x3FFE];
	_ =	sdelay $0x3  }
0x8a: {  	s0 =	sadd.s32 s1, s0  }
0x8b: {  	[smem:$0x3FC6] =	sst s0  }
0x8c: {  	_ = 	snop  }
0x8d: {  	s0 =	sld [smem:$0x3FC9]  }
0x8e: {  	s17 =	sld [smem:$0x3FC8]  }
0x8f: {  	s2 =	sld [smem:$0x3FD0];
	(tm) =	ssettm $0x1  }
0x90: {  	s3 =	sld [smem:$0x3FFB];
	_ =	sdelay $0x3  }
0x91: {  	_ =	strace s3  }
0x92: {  	s3 =	sld [smem:$0x3FFC];
	_ =	sdelay $0x3  }
0x93: {  	_ =	strace s3  }
0x94: {  	s3 =	sld [smem:$0x3FFD];
	_ =	sdelay $0x3  }
0x95: {  	_ =	strace s3  }
0x96: {  	_ =	strace $0x8FFFFFFF  }
0x97: {  	s18 =	sld [smem:$0x3FDB];
	_ =	sdelay $0x1  }
0x98: {  	s4 =	simm.s32 $_scs_section_size  }
0x99: {  	s5 =	simm.s32 $_size__tile_overlayer_lowered;
	s6 =	simm.s32 $_tile_overlayer_lowered  }
0x9a: {  	s21 =	simm.s32 $0x1BFF;
	s20 =	sshll.u32 s6, $0x1;
	s3 =	sadd.s32 s4, s18  }
0x9b: {  	s7 =	simm.s32 $0x0;
	s19 =	sshll.u32 s5, $0x1;
	s5 =	sadd.s32 s20, s3  }
0x9c: {  	[timem:s7], [sflag:s21] =	dma.local [hbm:s5], s19  }
0x9d: {  	_ =	swait.ge [sflag:s21], s19  }
0x9e: {  	s4 =	ssub.s32 $0x0, s19;
	[sflag:s21] =	ssyncset.done $0x0  }
0x9f: {  	[sflag:s21] =	ssyncadd.s32 s4;
	_ =	sdelay $0x1  }
0xa0: {  	s22 =	simm.s32 $0x1B8B  }
0xa1: {  	_ =	swait.ge [sflag:s22], $0x1  }
0xa2: {  	[sflag:s22] =	ssyncset.done $0x0  }
0xa3: {  	s23 =	simm.s32 $0x1B8E;
	[sflag:s22] =	ssyncadd.s32 $0xFFFFFFFF  }
0xa4: {  	s24 =	simm.s32 $execute0_lowered;
	[smem:$0x3FD2] =	sst s23  }
0xa5: {  	s4 =	sshll.u32 s24, $0x1;
	_ =	strace $0x80000046;
	[dreg:$0x1] =	wrdreg $0xFFFFFFFF  }
0xa6: {  	s25 =	simm.s32 $_size_execute0_lowered;
	s3 =	sadd.s32 s3, s4;
	[dreg:$0x0] =	wrdreg $0x0  }
0xa7: {  	s4 =	sshll.u32 s25, $0x1;
	[dreg:$0x2] =	wrdreg s3  }
0xa8: {  	[dreg:$0x3] =	wrdreg s4  }
0xa9: {  	[dreg:$0x4] =	wrdreg $0xC0  }
0xaa: {  	_ =	task [dreg:s7], $0x5FFFF  }
0xab: {  	[dreg:$0x1] =	wrdreg $0xFFFFFFFF  }
0xac: {  	[dreg:$0x0] =	wrdreg $0x60  }
0xad: {  	[dreg:$0x2] =	wrdreg s0  }
0xae: {  	[dreg:$0x3] =	wrdreg s17  }
0xaf: {  	[dreg:$0x4] =	wrdreg s2  }
0xb0: {  	[dreg:$0x5] =	wrdreg $0x9  }
0xb1: {  	_ =	task.clear_ibuf [dreg:s7], $0x6FFFF;
	_ =	strace $0x90000046  }
0xb2: {  	s26 =	simm.s32 $0x9;
	_ =	strace $0x80000048  }
0xb3: {  	_ =	swait.ge [sflag:s26], $0x1  }
0xb4: {  	[sflag:s26] =	ssyncadd.s32 $0xFFFFFFFF  }
0xb5: {  	_ =	strace $0x90000048  }
0xb6: {  	_ =	sfence  }
0xb7: {  	s28 =	sld [smem:$0x0];
	_ =	sdelay $0x1  }
0xb8: {  	s29 =	srdreg.scid  }
0xb9: {  	s30 =	sshll.u32 s29, $0xD;
	s31 =	sshrl.u32 s29, $0x2  }
0xba: {  	s1 =	sand.u32 $0x1, s29;
	s2 =	sand.u32 $0x4000, s30;
	s0 =	sadd.s32 s31, s28  }
0xbb: {  	s1 =	sor.u32 s2, s1;
	s0 =	sshll.u32 s0, $0x11  }
0xbc: {  	s0 =	sor.u32 s0, s1  }
0xbd: {  	s0 =	sadd.s32 $0x8F2B, s0  }
0xbe: {  	[sflag:s0] =	ssyncadd.remote.s32 $0x1  }
0xbf: {  	_ =	sfence.sel $0xFFFF  }
0xc0: {  	[dreg:$0x0] =	wrdreg $0xFFFFFFFF;
	(pc) =	sbr.abs _section_cstart, $3  }
0xc1: {  	[dreg:$0x1] =	wrdreg $0xFFFFFFFF  }
0xc2: {  	_ =	task.clear_ibuf [dreg:s7], $0x2FFFF;
	_ =	strace $0x9FFFFFFF  }
0xc3: {  	(tm) =	ssettm $0x7FFFFFFF  }
tec
execute0_lowered:
.L_overlay_start_1:
0x0: {  	(tag) =	ssettag $0x1  }
0x1: {  	s4 =	rddreg [dreg:$0x0]  }
0x2: {  	s2 =	rddreg [dreg:$0x1]  }
0x3: {  	s1 =	rddreg [dreg:$0x2];
	s3 =	stileid.u32  }
0x4: {  	s0 =	rddreg [dreg:$0x3];
	_ =	strace $0x80000047;
	p0 =	sne.s32 s3, $0x0  }
0x5: {  	_ =	sfence.sel @p0 $0x180000  }
0x6: {  	[bflag:$0x0] =	sbarrier.arrive @p0 $0xFFFF  }
0x7: {  	_ =	strace @p0 $0x90000047  }
0x8: {  	[bflag:$0x2] =	sbarrier.arrive @p0 $0xFFFF  }
0x9: {  	_ =	shalt @p0  }
.LBB2_1:
0xa: {  	s3 =	simm.s32 $0x0;
	s29 =	simm.s32 $0x2  }
0xb: {  	[tilespmem:s3], [sflag:$0x2] =	stream.linear.gather [hbm4b:s2+s3], $0x80, $0x38;
	[tilespmem:$0x200] =	vst v63  }
0xc: {  	_ =	swait.ge [sflag:s29], $0x80  }
0xd: {  	[sflag:s29] =	ssyncset.done $0x0  }
0xe: {  	[sflag:s29] =	ssyncadd.s32 $0xFFFFFF80  }
0xf: {  	v0 =	vld [tilespmem:$0x0]  }
0x10: {  	v1 =	vld [tilespmem:$0x10]  }
0x11: {  	v2 =	vld [tilespmem:$0x20]  }
0x12: {  	v3 =	vld [tilespmem:$0x30]  }
0x13: {  	v4 =	vld [tilespmem:$0x40]  }
0x14: {  	v5 =	vlaneseq.u32;
	v6 =	vld [tilespmem:$0x50];
	v0 =	vshll.u32 v0, $0x7  }
0x15: {  	v7 =	vor.u32 $0x10, v5;
	v8 =	vld [tilespmem:$0x60];
	v1 =	vshll.u32 v1, $0x7;
	v0 =	vor.u32 v5, v0  }
0x16: {  	v24 =	vor.u32 $0x20, v5;
	v25 =	vld [tilespmem:$0x70];
	v23 =	vshll.u32 v2, $0x7;
	v22 =	vor.u32 v7, v1;
	[tilespmem:$0x80] =	vst v0  }
0x17: {  	v28 =	vor.u32 $0x30, v5;
	v27 =	vshll.u32 v3, $0x7;
	v26 =	vor.u32 v24, v23;
	[tilespmem:$0x90] =	vst v22  }
0x18: {  	v31 =	vor.u32 $0x40, v5;
	v30 =	vshll.u32 v4, $0x7;
	v29 =	vor.u32 v28, v27;
	[tilespmem:$0xA0] =	vst v26  }
0x19: {  	v34 =	vor.u32 $0x50, v5;
	v33 =	vshll.u32 v6, $0x7;
	v32 =	vor.u32 v31, v30;
	[tilespmem:$0xB0] =	vst v29  }
0x1a: {  	v37 =	vor.u32 $0x60, v5;
	v36 =	vshll.u32 v8, $0x7;
	v35 =	vor.u32 v34, v33;
	[tilespmem:$0xC0] =	vst v32  }
0x1b: {  	v40 =	vor.u32 $0x70, v5;
	v39 =	vshll.u32 v25, $0x7;
	v38 =	vor.u32 v37, v36;
	[tilespmem:$0xD0] =	vst v35  }
0x1c: {  	v41 =	vor.u32 v40, v39;
	[tilespmem:$0xE0] =	vst v38  }
0x1d: {  	s5 =	simm.s32 $0x80;
	s6 =	simm.s32 $0x100;
	s30 =	simm.s32 $0x1;
	[tilespmem:$0xF0] =	vst v41  }
0x1e: {  	[tilespmem:s6], [sflag:$0x1] =	stream.indirect.gather [hbm4b:s4+s5], $0x1, s5, s5, $0xb8;
	[tilespmem:$0x200] =	vst v63  }
0x1f: {  	_ =	swait.ge [sflag:s30], $0x80  }
0x20: {  	[sflag:s30] =	ssyncset.done $0x0  }
0x21: {  	[sflag:s30] =	ssyncadd.s32 $0xFFFFFF80  }
0x22: {  	v42 =	vld [tilespmem:$0x100]  }
0x23: {  	v43 =	vld [tilespmem:$0x110];
	_ =	sdelay $0x1  }
0x24: {  	v44 =	vld [tilespmem:$0x120];
	_ =	sdelay $0x1  }
0x25: {  	v45 =	vld [tilespmem:$0x130]  }
0x26: {  	v0 =	vadd.f32 v43, v42  }
0x27: {  	v46 =	vld [tilespmem:$0x140]  }
0x28: {  	v0 =	vadd.f32 v44, v0  }
0x29: {  	v48 =	vimm.s32 $0xFEDCBA98;
	v47 =	vld [tilespmem:$0x150]  }
0x2a: {  	v49 =	vimm.s32 $0x76543210;
	v4 =	vunpack.c.l.s4.s8 v48;
	v0 =	vadd.f32 v45, v0  }
0x2b: {  	v3 =	vunpack.c.l.s4.s8 v49;
	v50 =	vld [tilespmem:$0x160]  }
0x2c: {  	v51 =	vunpack.c.0.s8.s32 v4;
	v0 =	vadd.f32 v46, v0  }
0x2d: {  	v3 =	vunpack.c.0.s8.s32 v3;
	v52 =	vld [tilespmem:$0x170]  }
0x2e: {  	v1 =	vand.u32 $0xF, v51;
	v0 =	vadd.f32 v47, v0  }
0x2f: {  	v1 =	vcombine.low v1, v3  }
0x30: {  	v0 =	vadd.f32 v50, v0  }
0x31: {  	v53 =	vimm.s32 $0xBA98FEDC;
	v54 =	vimm.s32 $0x32107654  }
0x32: {  	v2 =	vunpack.c.l.s4.s8 v53;
	v3 =	vunpack.c.l.s4.s8 v54;
	v0 =	vadd.f32 v52, v0;
	_ =	sdelay $0x1  }
0x33: {  	s31 =	simm.s32 $0x180;
	v2 =	vunpack.c.0.s8.s32 v2;
	v3 =	vunpack.c.0.s8.s32 v3;
	[tilespmem:$0x180] =	vst v0  }
0x34: {  	v1 =	vld.idx.msk [tilespmem:v1+s31+$0x0], $0xffff  }
0x35: {  	v2 =	vcombine.low v3, v2;
	_ =	sdelay $0x1  }
0x36: {  	v2 =	vand.u32 $0xF, v2  }
0x37: {  	v55 =	vimm.s32 $0xDCFE98BA;
	v56 =	vimm.s32 $0x54761032  }
0x38: {  	v57 =	vunpack.c.l.s4.s8 v55;
	v58 =	vunpack.c.l.s4.s8 v56;
	v0 =	vadd.f32 v1, v0;
	_ =	sdelay $0x1  }
0x39: {  	v3 =	vunpack.c.0.s8.s32 v58;
	v1 =	vunpack.c.0.s8.s32 v57;
	[tilespmem:$0x180] =	vst v0  }
0x3a: {  	v2 =	vld.idx.msk [tilespmem:v2+s31+$0x0], $0xffff  }
0x3b: {  	v1 =	vcombine.low v3, v1;
	_ =	sdelay $0x1  }
0x3c: {  	v1 =	vand.u32 $0xF, v1  }
0x3d: {  	v59 =	vimm.s32 $0xEFCDAB89;
	v60 =	vimm.s32 $0x67452301  }
0x3e: {  	v61 =	vunpack.c.l.s4.s8 v59;
	v62 =	vunpack.c.l.s4.s8 v60;
	v0 =	vadd.f32 v2, v0;
	_ =	sdelay $0x1  }
0x3f: {  	v3 =	vunpack.c.0.s8.s32 v62;
	v2 =	vunpack.c.0.s8.s32 v61;
	[tilespmem:$0x180] =	vst v0  }
0x40: {  	v1 =	vld.idx.msk [tilespmem:v1+s31+$0x0], $0xffff  }
0x41: {  	v2 =	vcombine.low v3, v2;
	_ =	sdelay $0x1  }
0x42: {  	v2 =	vand.u32 $0xF, v2;
	_ =	sdelay $0x1  }
0x43: {  	v0 =	vadd.f32 v1, v0;
	_ =	sdelay $0x1  }
0x44: {  	[tilespmem:$0x180] =	vst v0  }
0x45: {  	v63 =	vld.idx.msk [tilespmem:v2+s31+$0x0], $0xffff;
	_ =	sdelay $0x4  }
0x46: {  	v0 =	vadd.f32 v63, v0;
	_ =	sdelay $0x1  }
0x47: {  	[tilespmem:$0x180] =	vst v0  }
0x48: {  	[hbm4b:s1+s3] =	stream.linear.scatter [tilespmem:s31], [sflag:$0x2], $0x80, $0x38;
	[tilespmem:$0x200] =	vst v63  }
0x49: {  	_ =	swait.ge [sflag:s29], $0x80  }
0x4a: {  	[sflag:s29] =	ssyncset.done $0x0  }
0x4b: {  	[sflag:s29] =	ssyncadd.s32 $0xFFFFFF80  }
0x4c: {  	_ =	sfence.sel $0x180000  }
0x4d: {  	[bflag:$0x0] =	sbarrier.arrive $0xFFFF  }
0x4e: {  	_ =	strace $0x90000047  }
0x4f: {  	s0 =	sadd.s32 $0x100000, s0;
	[bflag:$0x2] =	sbarrier.arrive $0xFFFF  }
0x50: {  	[sflag:s0] =	ssyncadd.tile.s32 $0x1;
	_ =	shalt  }
.Lfunc_end2:
_tile_overlayer_lowered:
.L_overlay_start_2:
0x51: {  	(tag) =	ssettag $0x2  }
0x52: {  	s0 =	rddreg [dreg:$0x0];
	s2 =	stileid.u32  }
0x53: {  	s1 =	rddreg [dreg:$0x1];
	p0 =	sne.s32 s2, $0x0  }
0x54: {  	s3 =	rddreg [dreg:$0x2];
	[bflag:$0x3] =	sbarrier.arrive $0xFFFF;
	s2 =	simm.s32 @!p0 $0x1C02  }
0x55: {  	[timem:s3], [sflag:s2] =	dma.local @!p0 [hbm:s0], s1  }
0x56: {  	s0 =	simm.s32 @!p0 $0x2  }
0x57: {  	_ =	swait.ge @!p0 [sflag:s0], s1  }
0x58: {  	s1 =	ssub.s32 @!p0 $0x0, s1;
	[sflag:s0] =	ssyncset.done @!p0 $0x0  }
0x59: {  	[sflag:s0] =	ssyncadd.s32 @!p0 s1  }
0x5a: {  	[bflag:$0x3] =	sbarrier.arrive $0xFFFF  }
0x5b: {  	_ =	shalt  }

</sc_bundles>
